<compile_context>
chip_gen: v7x
topology: tpu7x:2x2x1
jax: 0.10.2.dev20260603
libtpu: 0.0.44.dev20260713+nightly
codegen_flags: <defaults>
</compile_context>

<pallas_src>
import functools

import jax
import jax.numpy as jnp
from jax.experimental import pallas as pl
from jax.experimental.pallas import tpu as pltpu

N_FEATURES = 4096
IN_FEATURES = 4096
OUT_FEATURES = 4096
BATCH = 4096
REPLACE_RATE = 1e-4
DECAY_RATE = 0.99
MATURITY_THRESHOLD = 100

_BR = 256
_K = 8


def _stats_body(wout_ref, x_ref, wout_copy_ref, wsum_ref, xsum_ref):
    i = pl.program_id(0)
    wout = wout_ref[...]
    x = x_ref[...]
    wpart = jnp.sum(jnp.abs(wout), axis=0, keepdims=True)
    xpart = jnp.sum(jnp.abs(x), axis=0, keepdims=True)

    @pl.when(i == 0)
    def _():
        wsum_ref[...] = wpart
        xsum_ref[...] = xpart

    @pl.when(i != 0)
    def _():
        wsum_ref[...] += wpart
        xsum_ref[...] += xpart

    wout_copy_ref[...] = wout


def _stats_pass(weights_out, input_values):
    grid = (OUT_FEATURES // _BR,)
    return pl.pallas_call(
        _stats_body,
        grid=grid,
        in_specs=[
            pl.BlockSpec((_BR, N_FEATURES), lambda i: (i, 0)),
            pl.BlockSpec((_BR, N_FEATURES), lambda i: (i, 0)),
        ],
        out_specs=[
            pl.BlockSpec((_BR, N_FEATURES), lambda i: (i, 0)),
            pl.BlockSpec((1, N_FEATURES), lambda i: (0, 0)),
            pl.BlockSpec((1, N_FEATURES), lambda i: (0, 0)),
        ],
        out_shape=[
            jax.ShapeDtypeStruct((OUT_FEATURES, N_FEATURES), jnp.float32),
            jax.ShapeDtypeStruct((1, N_FEATURES), jnp.float32),
            jax.ShapeDtypeStruct((1, N_FEATURES), jnp.float32),
        ],
    )(weights_out, input_values)


def _order_stat_bits(bits, k):
    def body(_, carry):
        lo, hi = carry
        mid = jax.lax.div(lo + hi, 2)
        cnt = jnp.sum((bits <= mid).astype(jnp.int32))
        big = cnt >= k
        return jnp.where(big, lo, mid + 1), jnp.where(big, mid, hi)

    lo = jnp.int32(0)
    hi = jnp.max(bits)
    lo, hi = jax.lax.fori_loop(0, 31, body, (lo, hi))
    return hi


def _rank_body(wsum_ref, xsum_ref, util_ref, age_ref, noise_ref, acc_ref,
               util3_ref, age3_ref, mask_ref, nrepl_ref):
    wsum = wsum_ref[...]
    xsum = xsum_ref[...]
    utility = util_ref[...]
    age = age_ref[...]
    noise = noise_ref[...]

    age2 = age + 1
    input_magnitudes = xsum * jnp.float32(1.0 / BATCH)
    step_utility = input_magnitudes * wsum
    utility2 = (jnp.float32(1.0 - DECAY_RATE) * step_utility
                + jnp.float32(DECAY_RATE) * utility)

    acc2 = acc_ref[0] + jnp.float32(REPLACE_RATE * N_FEATURES)
    n_available = acc2.astype(jnp.int32)

    eligibility = age2 > MATURITY_THRESHOLD
    n_eligible = jnp.sum(eligibility.astype(jnp.int32))
    n_repl = jnp.where(n_available > 0,
                       jnp.minimum(n_available, n_eligible),
                       0)

    perturbed = utility2 + noise
    inf = jnp.float32(jnp.inf)
    filtered = jnp.where(eligibility, perturbed, inf)

    m1 = jnp.min(filtered)
    c1 = jnp.sum((filtered == m1).astype(jnp.int32))
    m2 = jnp.min(jnp.where(filtered > m1, filtered, inf))
    threshold = jnp.where(c1 >= n_repl, m1, m2)

    prune = (filtered <= threshold) & eligibility & (n_repl > 0)

    bits = jax.lax.bitcast_convert_type(utility2, jnp.int32)
    half = N_FEATURES // 2
    b_lo = _order_stat_bits(bits, half)
    b_hi = _order_stat_bits(bits, half + 1)
    s_lo = jax.lax.bitcast_convert_type(b_lo, jnp.float32)
    s_hi = jax.lax.bitcast_convert_type(b_hi, jnp.float32)
    median = (s_lo + s_hi) * jnp.float32(0.5)

    util3_ref[...] = jnp.where(prune, median, utility2)
    age3_ref[...] = jnp.where(prune, 0, age2)
    mask_ref[...] = prune.astype(jnp.int32)
    nrepl_ref[0] = n_repl


def _rank_pass(wsum, xsum, utility, age, noise, acc_in):
    outs = pl.pallas_call(
        _rank_body,
        in_specs=[
            pl.BlockSpec((1, N_FEATURES), lambda: (0, 0)),
            pl.BlockSpec((1, N_FEATURES), lambda: (0, 0)),
            pl.BlockSpec((1, N_FEATURES), lambda: (0, 0)),
            pl.BlockSpec((1, N_FEATURES), lambda: (0, 0)),
            pl.BlockSpec((1, N_FEATURES), lambda: (0, 0)),
            pl.BlockSpec(memory_space=pltpu.SMEM),
        ],
        out_specs=[
            pl.BlockSpec((1, N_FEATURES), lambda: (0, 0)),
            pl.BlockSpec((1, N_FEATURES), lambda: (0, 0)),
            pl.BlockSpec((1, N_FEATURES), lambda: (0, 0)),
            pl.BlockSpec(memory_space=pltpu.SMEM),
        ],
        out_shape=[
            jax.ShapeDtypeStruct((1, N_FEATURES), jnp.float32),
            jax.ShapeDtypeStruct((1, N_FEATURES), jnp.int32),
            jax.ShapeDtypeStruct((1, N_FEATURES), jnp.int32),
            jax.ShapeDtypeStruct((1,), jnp.int32),
        ],
    )(wsum, xsum, utility, age, noise, acc_in)
    return outs


def _scatter_body(sidx_ref, svalid_ref, newrow_ref, winrow_ref, maskg_ref,
                  woutg_ref, win_out_ref, wout_out_ref):
    i = pl.program_id(0)
    valid = svalid_ref[i] != 0
    win_out_ref[...] = jnp.where(valid, newrow_ref[...], winrow_ref[...])
    m = maskg_ref[...].reshape(1, 128) != 0
    wout_out_ref[...] = jnp.where(m, jnp.float32(0.0), woutg_ref[...])


def _scatter_pass(sidx, svalid, new_in3, win3, mask3, wout_copy):
    grid_spec = pltpu.PrefetchScalarGridSpec(
        num_scalar_prefetch=2,
        grid=(_K,),
        in_specs=[
            pl.BlockSpec((1, 1, IN_FEATURES),
                         lambda i, s, v: (s[i], 0, 0)),
            pl.BlockSpec((1, 1, IN_FEATURES),
                         lambda i, s, v: (s[i], 0, 0)),
            pl.BlockSpec((1, 1, 128),
                         lambda i, s, v: (s[i] // 128, 0, 0)),
            pl.BlockSpec((OUT_FEATURES, 128),
                         lambda i, s, v: (0, s[i] // 128)),
        ],
        out_specs=[
            pl.BlockSpec((1, 1, IN_FEATURES),
                         lambda i, s, v: (s[i], 0, 0)),
            pl.BlockSpec((OUT_FEATURES, 128),
                         lambda i, s, v: (0, s[i] // 128)),
        ],
    )
    return pl.pallas_call(
        _scatter_body,
        grid_spec=grid_spec,
        out_shape=[
            jax.ShapeDtypeStruct((N_FEATURES, 1, IN_FEATURES), jnp.float32),
            jax.ShapeDtypeStruct((OUT_FEATURES, N_FEATURES), jnp.float32),
        ],
        input_output_aliases={3: 0, 5: 1},
    )(sidx, svalid, new_in3, win3, mask3, wout_copy)


def _lecun_uniform(key, shape):
    limit = jnp.sqrt(3.0 / shape[1])
    return jax.random.uniform(key, shape, minval=-limit, maxval=limit,
                              dtype=jnp.float32)


def kernel(weights_in, weights_out, input_values, age, utility,
           replacement_accumulator):
    noise_key, in_key = jax.random.split(jax.random.key(42))
    noise = jax.random.normal(noise_key, (N_FEATURES,)) * 1e-12
    new_in_weights = _lecun_uniform(in_key, (N_FEATURES, IN_FEATURES))

    wout_copy, wsum, xsum = _stats_pass(weights_out, input_values)

    acc2 = replacement_accumulator + REPLACE_RATE * N_FEATURES
    util3, age3, mask_i32, nrepl = _rank_pass(
        wsum, xsum,
        utility.reshape(1, N_FEATURES),
        age.reshape(1, N_FEATURES),
        noise.reshape(1, N_FEATURES),
        replacement_accumulator.reshape(1),
    )
    mask_flat = mask_i32.reshape(N_FEATURES)
    prune_mask = mask_flat.astype(jnp.bool_)
    n_repl = nrepl[0]

    idx = jnp.nonzero(mask_flat, size=_K, fill_value=0)[0].astype(jnp.int32)
    count = jnp.sum(mask_flat)
    valid = (jnp.arange(_K, dtype=jnp.int32) < count).astype(jnp.int32)
    cand = jnp.arange(_K + 1, dtype=jnp.int32)
    used = jnp.where(valid.astype(bool), idx, -1)
    taken = (cand[:, None] == used[None, :]).any(axis=1)
    pad = jnp.min(jnp.where(taken, _K + 1, cand))
    sidx = jnp.where(valid.astype(bool), idx, pad)

    win2_3d, weights_out2 = _scatter_pass(
        sidx, valid,
        new_in_weights.reshape(N_FEATURES, 1, IN_FEATURES),
        weights_in.reshape(N_FEATURES, 1, IN_FEATURES),
        mask_i32.reshape(N_FEATURES // 128, 1, 128),
        wout_copy)
    weights_in2 = win2_3d.reshape(N_FEATURES, IN_FEATURES)

    utility3 = util3.reshape(N_FEATURES)
    age3 = age3.reshape(N_FEATURES)
    acc3 = acc2 - n_repl.astype(jnp.float32)

    return (utility3, age3, prune_mask, weights_in2, weights_out2, acc3)

# --- scband reference (transcript-rebuilt; emitter-appended) ---
"""Pipeline reference for scband-cbptracker-75642964017618 (READ-ONLY COPY).

The authoritative reference and input builder live on the scoring server;
editing this copy changes nothing except your own understanding.
"""

import jax, jax.numpy as jnp
import numpy as np

N_FEATURES = 4096
IN_FEATURES = 4096
OUT_FEATURES = 4096
BATCH = 4096
REPLACE_RATE = 1e-4
DECAY_RATE = 0.99
MATURITY_THRESHOLD = 100


def lecun_uniform(key, shape):
    limit = jnp.sqrt(3.0 / shape[1])
    return jax.random.uniform(key, shape, minval=-limit, maxval=limit, dtype=jnp.float32)


def setup_inputs(seed: int = 0):
    key = jax.random.key(seed)
    k1, k2, k3, k4, k5 = jax.random.split(key, 5)
    return {
        "weights_in": jax.random.normal(k1, (N_FEATURES, IN_FEATURES), dtype=jnp.float32) * 0.02,
        "weights_out": jax.random.normal(k2, (OUT_FEATURES, N_FEATURES), dtype=jnp.float32) * 0.02,
        "input_values": jax.random.normal(k3, (BATCH, N_FEATURES), dtype=jnp.float32),
        "age": jax.random.randint(k4, (N_FEATURES,), 0, 1000).astype(jnp.int32),
        "utility": jax.random.uniform(k5, (N_FEATURES,), dtype=jnp.float32),
        "replacement_accumulator": jnp.array(2.5, dtype=jnp.float32),
    }


def reference(weights_in, weights_out, input_values, age, utility, replacement_accumulator):
    noise_key, in_key = jax.random.split(jax.random.key(42))

    # _compute_new_feature_stats
    age2 = age + 1
    acc2 = replacement_accumulator + REPLACE_RATE * N_FEATURES
    weight_sums = jnp.sum(jnp.abs(weights_out), axis=0)
    input_magnitudes = jnp.abs(input_values).mean(axis=0)
    step_utility = input_magnitudes * weight_sums
    utility2 = (1.0 - DECAY_RATE) * step_utility + DECAY_RATE * utility

    # _make_prune_mask
    n_available = acc2.astype(jnp.int32)

    def _make_mask():
        eligibility_mask = age2 > MATURITY_THRESHOLD
        n_eligible = jnp.sum(eligibility_mask).astype(jnp.int32)
        n_replacements = jnp.minimum(n_available, n_eligible)
        perturbed_utility = utility2 + jax.random.normal(noise_key, utility2.shape) * 1e-12
        filtered_utility = jnp.where(eligibility_mask, perturbed_utility, jnp.inf)
        utility_ranking = jnp.argsort(filtered_utility)
        utility_threshold = filtered_utility[utility_ranking[n_replacements - 1]]
        prune_mask = jnp.where(filtered_utility <= utility_threshold, True, False)
        prune_mask = prune_mask & eligibility_mask
        return prune_mask, n_replacements

    prune_mask, n_replacements = jax.lax.cond(
        n_available > 0,
        _make_mask,
        lambda: (jnp.zeros(utility2.shape, dtype=jnp.bool_), jnp.array(0, dtype=jnp.int32)),
    )

    # _reset_feature_stats (utility_reset_mode == 'median')
    age3 = jnp.where(prune_mask, 0, age2)
    reset_val = jnp.median(utility2)
    utility3 = jnp.where(prune_mask, reset_val, utility2)
    acc3 = acc2 - n_replacements.astype(jnp.float32)

    # _reinit_input_weights (lecun_uniform) and _reinit_output_weights (zeros)
    new_in_weights = lecun_uniform(in_key, weights_in.shape)
    weights_in2 = jnp.where(jnp.expand_dims(prune_mask, 1), new_in_weights, weights_in)
    weights_out2 = jnp.where(jnp.expand_dims(prune_mask, 0), jnp.zeros_like(weights_out), weights_out)

    return (utility3, age3, prune_mask, weights_in2, weights_out2, acc3)

if __name__ == "__main__":
    import jax
    _d = setup_inputs()
    print(jax.jit(kernel)(*tuple(_d.values())))

</pallas_src>

<mosaic_0001>
module attributes {stable_mosaic.version = 14 : i64} {
  func.func @_rank_body(%arg0: memref<1x4096xf32, #tpu.memory_space<vmem>>, %arg1: memref<1x4096xf32, #tpu.memory_space<vmem>>, %arg2: memref<1x4096xf32, #tpu.memory_space<vmem>>, %arg3: memref<1x4096xi32, #tpu.memory_space<vmem>>, %arg4: memref<1x4096xf32, #tpu.memory_space<vmem>>, %arg5: memref<1xf32, #tpu.memory_space<smem>>, %arg6: memref<1x4096xf32, #tpu.memory_space<vmem>>, %arg7: memref<1x4096xi32, #tpu.memory_space<vmem>>, %arg8: memref<1x4096xi32, #tpu.memory_space<vmem>>, %arg9: memref<1xi32, #tpu.memory_space<smem>>) attributes {dimension_semantics = [], scalar_prefetch = 0 : i64, scratch_operands = 0 : i64, tpu.core_type = #tpu.core_type<tc>} {
    %get3A = arith.constant 0 : index
    %get3A_0 = arith.constant 0 : index
    %get3A_1 = vector.load %arg0[%get3A, %get3A_0] : memref<1x4096xf32, #tpu.memory_space<vmem>>, vector<1x4096xf32>
    %get3A_2 = arith.constant 0 : index
    %get3A_3 = arith.constant 0 : index
    %get3A_4 = vector.load %arg1[%get3A_2, %get3A_3] : memref<1x4096xf32, #tpu.memory_space<vmem>>, vector<1x4096xf32>
    %get3A_5 = arith.constant 0 : index
    %get3A_6 = arith.constant 0 : index
    %get3A_7 = vector.load %arg2[%get3A_5, %get3A_6] : memref<1x4096xf32, #tpu.memory_space<vmem>>, vector<1x4096xf32>
    %get3A_8 = arith.constant 0 : index
    %get3A_9 = arith.constant 0 : index
    %get3A_10 = vector.load %arg3[%get3A_8, %get3A_9] : memref<1x4096xi32, #tpu.memory_space<vmem>>, vector<1x4096xi32>
    %get3A_11 = arith.constant 0 : index
    %get3A_12 = arith.constant 0 : index
    %get3A_13 = vector.load %arg4[%get3A_11, %get3A_12] : memref<1x4096xf32, #tpu.memory_space<vmem>>, vector<1x4096xf32>
    %add3A = arith.constant 1 : i32
    %add3A_14 = vector.broadcast %add3A : i32 to vector<1x4096xi32>
    %add3A_15 = arith.addi %get3A_10, %add3A_14 : vector<1x4096xi32>
    %mul3A = arith.constant 2.44140625E-4 : f32
    %mul3A_16 = vector.broadcast %mul3A : f32 to vector<1x4096xf32>
    %mul3A_17 = arith.mulf %get3A_4, %mul3A_16 : vector<1x4096xf32>
    %mul3A_18 = arith.mulf %mul3A_17, %get3A_1 : vector<1x4096xf32>
    %mul3A_19 = arith.constant 0.00999999977 : f32
    %mul3A_20 = vector.broadcast %mul3A_19 : f32 to vector<1x4096xf32>
    %mul3A_21 = arith.mulf %mul3A_20, %mul3A_18 : vector<1x4096xf32>
    %mul3A_22 = arith.constant 9.900000e-01 : f32
    %mul3A_23 = vector.broadcast %mul3A_22 : f32 to vector<1x4096xf32>
    %mul3A_24 = arith.mulf %mul3A_23, %get3A_7 : vector<1x4096xf32>
    %add3A_25 = arith.addf %mul3A_21, %mul3A_24 : vector<1x4096xf32>
    %get3A_26 = arith.constant 0 : index
    %get3A_27 = memref.load %arg5[%get3A_26] : memref<1xf32, #tpu.memory_space<smem>>
    %add3A_28 = arith.constant 4.096000e-01 : f32
    %add3A_29 = arith.addf %get3A_27, %add3A_28 : f32
    %convert_element_type3A = arith.fptosi %add3A_29 : f32 to i32
    %gt3A = arith.constant 100 : i32
    %gt3A_30 = vector.broadcast %gt3A : i32 to vector<1x4096xi32>
    %gt3A_31 = arith.cmpi sgt, %add3A_15, %gt3A_30 : vector<1x4096xi32>
    %convert_element_type3A_32 = arith.extui %gt3A_31 : vector<1x4096xi1> to vector<1x4096xi32>
    %reduce_sum3A = vector.shape_cast %convert_element_type3A_32 : vector<1x4096xi32> to vector<1x1x4096xi32>
    %reduce_sum3A_33 = arith.constant dense<0> : vector<1xi32>
    %reduce_sum3A_34 = vector.multi_reduction <add>, %reduce_sum3A, %reduce_sum3A_33 [1, 2] : vector<1x1x4096xi32> to vector<1xi32>
    %reduce_sum3A_35 = vector.shape_cast %reduce_sum3A_34 : vector<1xi32> to vector<1x1x1xi32>
    %reduce_sum3A_36 = vector.extract %reduce_sum3A_35[0, 0, 0] : i32 from vector<1x1x1xi32>
    %gt3A_37 = arith.constant 0 : i32
    %gt3A_38 = arith.cmpi sgt, %convert_element_type3A, %gt3A_37 : i32
    %min3A = arith.minsi %convert_element_type3A, %reduce_sum3A_36 : i32
    %jit3A = arith.constant 0 : i32
    %select_n3A = arith.select %gt3A_38, %min3A, %jit3A : i32
    %add3A_39 = arith.addf %add3A_25, %get3A_13 : vector<1x4096xf32>
    %jit3A_40 = arith.constant 0x7F800000 : f32
    %broadcast_in_dim3A = vector.broadcast %jit3A_40 : f32 to vector<1x4096xf32>
    %select_n3A_41 = arith.select %gt3A_31, %add3A_39, %broadcast_in_dim3A : vector<1x4096xi1>, vector<1x4096xf32>
    %reduce_min3A = vector.shape_cast %select_n3A_41 : vector<1x4096xf32> to vector<1x1x4096xf32>
    %reduce_min3A_42 = arith.constant dense<0x7F800000> : vector<1xf32>
    %reduce_min3A_43 = vector.multi_reduction <minimumf>, %reduce_min3A, %reduce_min3A_42 [1, 2] : vector<1x1x4096xf32> to vector<1xf32>
    %reduce_min3A_44 = vector.shape_cast %reduce_min3A_43 : vector<1xf32> to vector<1x1x1xf32>
    %reduce_min3A_45 = vector.extract %reduce_min3A_44[0, 0, 0] : f32 from vector<1x1x1xf32>
    %eq3A = vector.broadcast %reduce_min3A_45 : f32 to vector<1x4096xf32>
    %eq3A_46 = arith.cmpf oeq, %select_n3A_41, %eq3A : vector<1x4096xf32>
    %convert_element_type3A_47 = arith.extui %eq3A_46 : vector<1x4096xi1> to vector<1x4096xi32>
    %reduce_sum3A_48 = vector.shape_cast %convert_element_type3A_47 : vector<1x4096xi32> to vector<1x1x4096xi32>
    %reduce_sum3A_49 = arith.constant dense<0> : vector<1xi32>
    %reduce_sum3A_50 = vector.multi_reduction <add>, %reduce_sum3A_48, %reduce_sum3A_49 [1, 2] : vector<1x1x4096xi32> to vector<1xi32>
    %reduce_sum3A_51 = vector.shape_cast %reduce_sum3A_50 : vector<1xi32> to vector<1x1x1xi32>
    %reduce_sum3A_52 = vector.extract %reduce_sum3A_51[0, 0, 0] : i32 from vector<1x1x1xi32>
    %gt3A_53 = vector.broadcast %reduce_min3A_45 : f32 to vector<1x4096xf32>
    %gt3A_54 = arith.cmpf ogt, %select_n3A_41, %gt3A_53 : vector<1x4096xf32>
    %jit3A_55 = arith.constant 0x7F800000 : f32
    %broadcast_in_dim3A_56 = vector.broadcast %jit3A_55 : f32 to vector<1x4096xf32>
    %select_n3A_57 = arith.select %gt3A_54, %select_n3A_41, %broadcast_in_dim3A_56 : vector<1x4096xi1>, vector<1x4096xf32>
    %reduce_min3A_58 = vector.shape_cast %select_n3A_57 : vector<1x4096xf32> to vector<1x1x4096xf32>
    %reduce_min3A_59 = arith.constant dense<0x7F800000> : vector<1xf32>
    %reduce_min3A_60 = vector.multi_reduction <minimumf>, %reduce_min3A_58, %reduce_min3A_59 [1, 2] : vector<1x1x4096xf32> to vector<1xf32>
    %reduce_min3A_61 = vector.shape_cast %reduce_min3A_60 : vector<1xf32> to vector<1x1x1xf32>
    %reduce_min3A_62 = vector.extract %reduce_min3A_61[0, 0, 0] : f32 from vector<1x1x1xf32>
    %ge3A = arith.cmpi sge, %reduce_sum3A_52, %select_n3A : i32
    %select_n3A_63 = arith.select %ge3A, %reduce_min3A_45, %reduce_min3A_62 : f32
    %le3A = vector.broadcast %select_n3A_63 : f32 to vector<1x4096xf32>
    %le3A_64 = arith.cmpf ole, %select_n3A_41, %le3A : vector<1x4096xf32>
    %and3A = arith.andi %le3A_64, %gt3A_31 : vector<1x4096xi1>
    %gt3A_65 = arith.constant 0 : i32
    %gt3A_66 = arith.cmpi sgt, %select_n3A, %gt3A_65 : i32
    %and3A_67 = vector.broadcast %gt3A_66 : i1 to vector<1x4096xi1>
    %and3A_68 = arith.andi %and3A, %and3A_67 : vector<1x4096xi1>
    %bitcast_convert_type3A = tpu.bitcast %add3A_25 : vector<1x4096xf32> -> vector<1x4096xi32>
    %reduce_max3A = vector.shape_cast %bitcast_convert_type3A : vector<1x4096xi32> to vector<1x1x4096xi32>
    %reduce_max3A_69 = arith.constant dense<-2147483648> : vector<1xi32>
    %reduce_max3A_70 = vector.multi_reduction <maxsi>, %reduce_max3A, %reduce_max3A_69 [1, 2] : vector<1x1x4096xi32> to vector<1xi32>
    %reduce_max3A_71 = vector.shape_cast %reduce_max3A_70 : vector<1xi32> to vector<1x1x1xi32>
    %reduce_max3A_72 = vector.extract %reduce_max3A_71[0, 0, 0] : i32 from vector<1x1x1xi32>
    %scan3A = arith.constant 0 : i32
    %scan3A_73 = arith.constant 0 : i32
    %scan3A_74 = arith.constant 31 : i32
    %scan3A_75 = arith.addi %scan3A_73, %scan3A_74 : i32
    %scan3A_76 = arith.constant 1 : i32
    %scan3A_77:2 = scf.for %scan3A_110 = %scan3A_73 to %scan3A_75 step %scan3A_76 iter_args(%scan3A_111 = %scan3A, %scan3A_112 = %reduce_max3A_72) -> (i32, i32)  : i32 {
      %add3A_113 = arith.addi %scan3A_111, %scan3A_112 : i32
      %div3A = arith.constant 2 : i32
      %div3A_114 = arith.divsi %add3A_113, %div3A : i32
      %le3A_115 = vector.broadcast %div3A_114 : i32 to vector<1x4096xi32>
      %le3A_116 = arith.cmpi sle, %bitcast_convert_type3A, %le3A_115 : vector<1x4096xi32>
      %convert_element_type3A_117 = arith.extui %le3A_116 : vector<1x4096xi1> to vector<1x4096xi32>
      %reduce_sum3A_118 = vector.shape_cast %convert_element_type3A_117 : vector<1x4096xi32> to vector<1x1x4096xi32>
      %reduce_sum3A_119 = arith.constant dense<0> : vector<1xi32>
      %reduce_sum3A_120 = vector.multi_reduction <add>, %reduce_sum3A_118, %reduce_sum3A_119 [1, 2] : vector<1x1x4096xi32> to vector<1xi32>
      %reduce_sum3A_121 = vector.shape_cast %reduce_sum3A_120 : vector<1xi32> to vector<1x1x1xi32>
      %reduce_sum3A_122 = vector.extract %reduce_sum3A_121[0, 0, 0] : i32 from vector<1x1x1xi32>
      %ge3A_123 = arith.constant 2048 : i32
      %ge3A_124 = arith.cmpi sge, %reduce_sum3A_122, %ge3A_123 : i32
      %add3A_125 = arith.constant 1 : i32
      %add3A_126 = arith.addi %div3A_114, %add3A_125 : i32
      %select_n3A_127 = arith.select %ge3A_124, %scan3A_111, %add3A_126 : i32
      %select_n3A_128 = arith.select %ge3A_124, %div3A_114, %scan3A_112 : i32
      scf.yield %select_n3A_127, %select_n3A_128 : i32, i32
    }
    %reduce_max3A_78 = vector.shape_cast %bitcast_convert_type3A : vector<1x4096xi32> to vector<1x1x4096xi32>
    %reduce_max3A_79 = arith.constant dense<-2147483648> : vector<1xi32>
    %reduce_max3A_80 = vector.multi_reduction <maxsi>, %reduce_max3A_78, %reduce_max3A_79 [1, 2] : vector<1x1x4096xi32> to vector<1xi32>
    %reduce_max3A_81 = vector.shape_cast %reduce_max3A_80 : vector<1xi32> to vector<1x1x1xi32>
    %reduce_max3A_82 = vector.extract %reduce_max3A_81[0, 0, 0] : i32 from vector<1x1x1xi32>
    %scan3A_83 = arith.constant 0 : i32
    %scan3A_84 = arith.constant 0 : i32
    %scan3A_85 = arith.constant 31 : i32
    %scan3A_86 = arith.addi %scan3A_84, %scan3A_85 : i32
    %scan3A_87 = arith.constant 1 : i32
    %scan3A_88:2 = scf.for %scan3A_110 = %scan3A_84 to %scan3A_86 step %scan3A_87 iter_args(%scan3A_111 = %scan3A_83, %scan3A_112 = %reduce_max3A_82) -> (i32, i32)  : i32 {
      %add3A_113 = arith.addi %scan3A_111, %scan3A_112 : i32
      %div3A = arith.constant 2 : i32
      %div3A_114 = arith.divsi %add3A_113, %div3A : i32
      %le3A_115 = vector.broadcast %div3A_114 : i32 to vector<1x4096xi32>
      %le3A_116 = arith.cmpi sle, %bitcast_convert_type3A, %le3A_115 : vector<1x4096xi32>
      %convert_element_type3A_117 = arith.extui %le3A_116 : vector<1x4096xi1> to vector<1x4096xi32>
      %reduce_sum3A_118 = vector.shape_cast %convert_element_type3A_117 : vector<1x4096xi32> to vector<1x1x4096xi32>
      %reduce_sum3A_119 = arith.constant dense<0> : vector<1xi32>
      %reduce_sum3A_120 = vector.multi_reduction <add>, %reduce_sum3A_118, %reduce_sum3A_119 [1, 2] : vector<1x1x4096xi32> to vector<1xi32>
      %reduce_sum3A_121 = vector.shape_cast %reduce_sum3A_120 : vector<1xi32> to vector<1x1x1xi32>
      %reduce_sum3A_122 = vector.extract %reduce_sum3A_121[0, 0, 0] : i32 from vector<1x1x1xi32>
      %ge3A_123 = arith.constant 2049 : i32
      %ge3A_124 = arith.cmpi sge, %reduce_sum3A_122, %ge3A_123 : i32
      %add3A_125 = arith.constant 1 : i32
      %add3A_126 = arith.addi %div3A_114, %add3A_125 : i32
      %select_n3A_127 = arith.select %ge3A_124, %scan3A_111, %add3A_126 : i32
      %select_n3A_128 = arith.select %ge3A_124, %div3A_114, %scan3A_112 : i32
      scf.yield %select_n3A_127, %select_n3A_128 : i32, i32
    }
    %bitcast_convert_type3A_89 = arith.bitcast %scan3A_77#1 : i32 to f32
    %bitcast_convert_type3A_90 = arith.bitcast %scan3A_88#1 : i32 to f32
    %add3A_91 = arith.addf %bitcast_convert_type3A_89, %bitcast_convert_type3A_90 : f32
    %mul3A_92 = arith.constant 5.000000e-01 : f32
    %mul3A_93 = arith.mulf %add3A_91, %mul3A_92 : f32
    %broadcast_in_dim3A_94 = vector.broadcast %mul3A_93 : f32 to vector<1x4096xf32>
    %select_n3A_95 = arith.select %and3A_68, %broadcast_in_dim3A_94, %add3A_25 : vector<1x4096xi1>, vector<1x4096xf32>
    %swap3A = arith.constant 0 : index
    %swap3A_96 = arith.constant 0 : index
    %swap3A_97 = vector.load %arg6[%swap3A, %swap3A_96] : memref<1x4096xf32, #tpu.memory_space<vmem>>, vector<1x4096xf32>
    tpu.vector_store %arg6[%swap3A, %swap3A_96], %select_n3A_95 {strides = array<i32>} : memref<1x4096xf32, #tpu.memory_space<vmem>>, vector<1x4096xf32>,
    %jit3A_98 = arith.constant 0 : i32
    %broadcast_in_dim3A_99 = vector.broadcast %jit3A_98 : i32 to vector<1x4096xi32>
    %select_n3A_100 = arith.select %and3A_68, %broadcast_in_dim3A_99, %add3A_15 : vector<1x4096xi1>, vector<1x4096xi32>
    %swap3A_101 = arith.constant 0 : index
    %swap3A_102 = arith.constant 0 : index
    %swap3A_103 = vector.load %arg7[%swap3A_101, %swap3A_102] : memref<1x4096xi32, #tpu.memory_space<vmem>>, vector<1x4096xi32>
    tpu.vector_store %arg7[%swap3A_101, %swap3A_102], %select_n3A_100 {strides = array<i32>} : memref<1x4096xi32, #tpu.memory_space<vmem>>, vector<1x4096xi32>,
    %convert_element_type3A_104 = arith.extui %and3A_68 : vector<1x4096xi1> to vector<1x4096xi32>
    %swap3A_105 = arith.constant 0 : index
    %swap3A_106 = arith.constant 0 : index
    %swap3A_107 = vector.load %arg8[%swap3A_105, %swap3A_106] : memref<1x4096xi32, #tpu.memory_space<vmem>>, vector<1x4096xi32>
    tpu.vector_store %arg8[%swap3A_105, %swap3A_106], %convert_element_type3A_104 {strides = array<i32>} : memref<1x4096xi32, #tpu.memory_space<vmem>>, vector<1x4096xi32>,
    %swap3A_108 = arith.constant 0 : index
    %swap3A_109 = memref.load %arg9[%swap3A_108] : memref<1xi32, #tpu.memory_space<smem>>
    memref.store %select_n3A, %arg9[%swap3A_108] : memref<1xi32, #tpu.memory_space<smem>>
    return
  }
}

module attributes {stable_mosaic.version = 14 : i64} {
  func.func @_stats_body(%arg0: i32, %arg1: memref<256x4096xf32, #tpu.memory_space<vmem>>, %arg2: memref<256x4096xf32, #tpu.memory_space<vmem>>, %arg3: memref<256x4096xf32, #tpu.memory_space<vmem>>, %arg4: memref<1x4096xf32, #tpu.memory_space<vmem>>, %arg5: memref<1x4096xf32, #tpu.memory_space<vmem>>) attributes {dimension_semantics = [#tpu.dimension_semantics<arbitrary>], iteration_bounds = array<i64: 16>, scalar_prefetch = 0 : i64, scratch_operands = 0 : i64, tpu.core_type = #tpu.core_type<tc>, window_params = [{transform_indices = @transform_0, window_bounds = array<i64: 256, 4096>}, {transform_indices = @transform_1, window_bounds = array<i64: 256, 4096>}, {transform_indices = @transform_2, window_bounds = array<i64: 256, 4096>}, {pipeline_mode = #tpu.pipeline_mode<synchronous>, transform_indices = @transform_3, window_bounds = array<i64: 1, 4096>}, {pipeline_mode = #tpu.pipeline_mode<synchronous>, transform_indices = @transform_4, window_bounds = array<i64: 1, 4096>}]} {
    %get3A = arith.constant 0 : index
    %get3A_0 = arith.constant 0 : index
    %get3A_1 = vector.load %arg1[%get3A, %get3A_0] : memref<256x4096xf32, #tpu.memory_space<vmem>>, vector<256x4096xf32>
    %get3A_2 = arith.constant 0 : index
    %get3A_3 = arith.constant 0 : index
    %get3A_4 = vector.load %arg2[%get3A_2, %get3A_3] : memref<256x4096xf32, #tpu.memory_space<vmem>>, vector<256x4096xf32>
    %abs3A = math.absf %get3A_1 : vector<256x4096xf32>
    %reduce_sum3A = arith.constant dense<0.000000e+00> : vector<4096xf32>
    %reduce_sum3A_5 = vector.multi_reduction <add>, %abs3A, %reduce_sum3A [0] : vector<256x4096xf32> to vector<4096xf32>
    %broadcast_in_dim3A = vector.shape_cast %reduce_sum3A_5 : vector<4096xf32> to vector<1x4096xf32>
    %abs3A_6 = math.absf %get3A_4 : vector<256x4096xf32>
    %reduce_sum3A_7 = arith.constant dense<0.000000e+00> : vector<4096xf32>
    %reduce_sum3A_8 = vector.multi_reduction <add>, %abs3A_6, %reduce_sum3A_7 [0] : vector<256x4096xf32> to vector<4096xf32>
    %broadcast_in_dim3A_9 = vector.shape_cast %reduce_sum3A_8 : vector<4096xf32> to vector<1x4096xf32>
    %eq3A = arith.constant 0 : i32
    %eq3A_10 = arith.cmpi eq, %arg0, %eq3A : i32
    %convert_element_type3A = arith.extui %eq3A_10 : i1 to i32
    %cond3A = arith.constant 0 : i32
    %cond3A_11 = arith.cmpi ne, %convert_element_type3A, %cond3A : i32
    scf.if %cond3A_11 {
      %swap3A_18 = arith.constant 0 : index
      %swap3A_19 = arith.constant 0 : index
      %swap3A_20 = vector.load %arg4[%swap3A_18, %swap3A_19] : memref<1x4096xf32, #tpu.memory_space<vmem>>, vector<1x4096xf32>
      tpu.vector_store %arg4[%swap3A_18, %swap3A_19], %broadcast_in_dim3A {strides = array<i32>} : memref<1x4096xf32, #tpu.memory_space<vmem>>, vector<1x4096xf32>,
      %swap3A_21 = arith.constant 0 : index
      %swap3A_22 = arith.constant 0 : index
      %swap3A_23 = vector.load %arg5[%swap3A_21, %swap3A_22] : memref<1x4096xf32, #tpu.memory_space<vmem>>, vector<1x4096xf32>
      tpu.vector_store %arg5[%swap3A_21, %swap3A_22], %broadcast_in_dim3A_9 {strides = array<i32>} : memref<1x4096xf32, #tpu.memory_space<vmem>>, vector<1x4096xf32>,
    } else {
    }
    %ne3A = arith.constant 0 : i32
    %ne3A_12 = arith.cmpi ne, %arg0, %ne3A : i32
    %convert_element_type3A_13 = arith.extui %ne3A_12 : i1 to i32
    %cond3A_14 = arith.constant 0 : i32
    %cond3A_15 = arith.cmpi ne, %convert_element_type3A_13, %cond3A_14 : i32
    scf.if %cond3A_15 {
      %get3A_18 = arith.constant 0 : index
      %get3A_19 = arith.constant 0 : index
      %get3A_20 = vector.load %arg4[%get3A_18, %get3A_19] : memref<1x4096xf32, #tpu.memory_space<vmem>>, vector<1x4096xf32>
      %add3A = arith.addf %get3A_20, %broadcast_in_dim3A : vector<1x4096xf32>
      %swap3A_21 = arith.constant 0 : index
      %swap3A_22 = arith.constant 0 : index
      %swap3A_23 = vector.load %arg4[%swap3A_21, %swap3A_22] : memref<1x4096xf32, #tpu.memory_space<vmem>>, vector<1x4096xf32>
      tpu.vector_store %arg4[%swap3A_21, %swap3A_22], %add3A {strides = array<i32>} : memref<1x4096xf32, #tpu.memory_space<vmem>>, vector<1x4096xf32>,
      %get3A_24 = arith.constant 0 : index
      %get3A_25 = arith.constant 0 : index
      %get3A_26 = vector.load %arg5[%get3A_24, %get3A_25] : memref<1x4096xf32, #tpu.memory_space<vmem>>, vector<1x4096xf32>
      %add3A_27 = arith.addf %get3A_26, %broadcast_in_dim3A_9 : vector<1x4096xf32>
      %swap3A_28 = arith.constant 0 : index
      %swap3A_29 = arith.constant 0 : index
      %swap3A_30 = vector.load %arg5[%swap3A_28, %swap3A_29] : memref<1x4096xf32, #tpu.memory_space<vmem>>, vector<1x4096xf32>
      tpu.vector_store %arg5[%swap3A_28, %swap3A_29], %add3A_27 {strides = array<i32>} : memref<1x4096xf32, #tpu.memory_space<vmem>>, vector<1x4096xf32>,
    } else {
    }
    %swap3A = arith.constant 0 : index
    %swap3A_16 = arith.constant 0 : index
    %swap3A_17 = vector.load %arg3[%swap3A, %swap3A_16] : memref<256x4096xf32, #tpu.memory_space<vmem>>, vector<256x4096xf32>
    tpu.vector_store %arg3[%swap3A, %swap3A_16], %get3A_1 {strides = array<i32>} : memref<256x4096xf32, #tpu.memory_space<vmem>>, vector<256x4096xf32>,
    return
  }
  func.func @transform_0(%arg0: i32) -> (i32, i32) {
    %c0_i32 = arith.constant 0 : i32
    %c0_i32_0 = arith.constant 0 : i32
    return %arg0, %c0_i32 : i32, i32
  }
  func.func @transform_1(%arg0: i32) -> (i32, i32) {
    %c0_i32 = arith.constant 0 : i32
    %c0_i32_0 = arith.constant 0 : i32
    return %arg0, %c0_i32 : i32, i32
  }
  func.func @transform_2(%arg0: i32) -> (i32, i32) {
    %c0_i32 = arith.constant 0 : i32
    %c0_i32_0 = arith.constant 0 : i32
    return %arg0, %c0_i32 : i32, i32
  }
  func.func @transform_3(%arg0: i32) -> (i32, i32) {
    %c0_i32 = arith.constant 0 : i32
    %c0_i32_0 = arith.constant 0 : i32
    %c0_i32_1 = arith.constant 0 : i32
    return %c0_i32, %c0_i32_0 : i32, i32
  }
  func.func @transform_4(%arg0: i32) -> (i32, i32) {
    %c0_i32 = arith.constant 0 : i32
    %c0_i32_0 = arith.constant 0 : i32
    %c0_i32_1 = arith.constant 0 : i32
    return %c0_i32, %c0_i32_0 : i32, i32
  }
}

module attributes {stable_mosaic.version = 14 : i64} {
  func.func @_scatter_body(%arg0: i32, %arg1: memref<8xi32, #tpu.memory_space<smem>>, %arg2: memref<8xi32, #tpu.memory_space<smem>>, %arg3: memref<1x1x4096xf32, #tpu.memory_space<vmem>>, %arg4: memref<1x1x4096xf32, #tpu.memory_space<vmem>>, %arg5: memref<1x1x128xi32, #tpu.memory_space<vmem>>, %arg6: memref<4096x128xf32, #tpu.memory_space<vmem>>, %arg7: memref<1x1x4096xf32, #tpu.memory_space<vmem>>, %arg8: memref<4096x128xf32, #tpu.memory_space<vmem>>) attributes {dimension_semantics = [#tpu.dimension_semantics<arbitrary>], iteration_bounds = array<i64: 8>, scalar_prefetch = 2 : i64, scratch_operands = 0 : i64, tpu.core_type = #tpu.core_type<tc>, window_params = [{transform_indices = @transform_0, window_bounds = array<i64: 1, 1, 4096>}, {transform_indices = @transform_1, window_bounds = array<i64: 1, 1, 4096>}, {transform_indices = @transform_2, window_bounds = array<i64: 1, 1, 128>}, {transform_indices = @transform_3, window_bounds = array<i64: 4096, 128>}, {transform_indices = @transform_4, window_bounds = array<i64: 1, 1, 4096>}, {transform_indices = @transform_5, window_bounds = array<i64: 4096, 128>}]} {
    %get3A = arith.index_cast %arg0 : i32 to index
    %get3A_0 = memref.load %arg2[%get3A] : memref<8xi32, #tpu.memory_space<smem>>
    %ne3A = arith.constant 0 : i32
    %ne3A_1 = arith.cmpi ne, %get3A_0, %ne3A : i32
    %get3A_2 = arith.constant 0 : index
    %get3A_3 = arith.constant 0 : index
    %get3A_4 = arith.constant 0 : index
    %get3A_5 = vector.load %arg3[%get3A_2, %get3A_3, %get3A_4] : memref<1x1x4096xf32, #tpu.memory_space<vmem>>, vector<1x1x4096xf32>
    %get3A_6 = arith.constant 0 : index
    %get3A_7 = arith.constant 0 : index
    %get3A_8 = arith.constant 0 : index
    %get3A_9 = vector.load %arg4[%get3A_6, %get3A_7, %get3A_8] : memref<1x1x4096xf32, #tpu.memory_space<vmem>>, vector<1x1x4096xf32>
    %select_n3A = arith.select %ne3A_1, %get3A_5, %get3A_9 : vector<1x1x4096xf32>
    %swap3A = arith.constant 0 : index
    %swap3A_10 = arith.constant 0 : index
    %swap3A_11 = arith.constant 0 : index
    %swap3A_12 = vector.load %arg7[%swap3A, %swap3A_10, %swap3A_11] : memref<1x1x4096xf32, #tpu.memory_space<vmem>>, vector<1x1x4096xf32>
    tpu.vector_store %arg7[%swap3A, %swap3A_10, %swap3A_11], %select_n3A {strides = array<i32>} : memref<1x1x4096xf32, #tpu.memory_space<vmem>>, vector<1x1x4096xf32>,
    %get3A_13 = arith.constant 0 : index
    %get3A_14 = arith.constant 0 : index
    %get3A_15 = arith.constant 0 : index
    %get3A_16 = vector.load %arg5[%get3A_13, %get3A_14, %get3A_15] : memref<1x1x128xi32, #tpu.memory_space<vmem>>, vector<1x1x128xi32>
    %reshape3A = vector.shape_cast %get3A_16 : vector<1x1x128xi32> to vector<1x128xi32>
    %ne3A_17 = arith.constant 0 : i32
    %ne3A_18 = vector.broadcast %ne3A_17 : i32 to vector<1x128xi32>
    %ne3A_19 = arith.cmpi ne, %reshape3A, %ne3A_18 : vector<1x128xi32>
    %get3A_20 = arith.constant 0 : index
    %get3A_21 = arith.constant 0 : index
    %get3A_22 = vector.load %arg6[%get3A_20, %get3A_21] : memref<4096x128xf32, #tpu.memory_space<vmem>>, vector<4096x128xf32>
    %jit3A = arith.constant 0.000000e+00 : f32
    %broadcast_in_dim3A = vector.shape_cast %ne3A_19 : vector<1x128xi1> to vector<1x128xi1>
    %broadcast_in_dim3A_23 = vector.broadcast %broadcast_in_dim3A : vector<1x128xi1> to vector<4096x128xi1>
    %broadcast_in_dim3A_24 = vector.broadcast %jit3A : f32 to vector<4096x128xf32>
    %select_n3A_25 = arith.select %broadcast_in_dim3A_23, %broadcast_in_dim3A_24, %get3A_22 : vector<4096x128xi1>, vector<4096x128xf32>
    %swap3A_26 = arith.constant 0 : index
    %swap3A_27 = arith.constant 0 : index
    %swap3A_28 = vector.load %arg8[%swap3A_26, %swap3A_27] : memref<4096x128xf32, #tpu.memory_space<vmem>>, vector<4096x128xf32>
    tpu.vector_store %arg8[%swap3A_26, %swap3A_27], %select_n3A_25 {strides = array<i32>} : memref<4096x128xf32, #tpu.memory_space<vmem>>, vector<4096x128xf32>,
    return
  }
  func.func @transform_0(%arg0: i32, %arg1: memref<8xi32, #tpu.memory_space<smem>>, %arg2: memref<8xi32, #tpu.memory_space<smem>>) -> (i32, i32, i32) {
    %get3A = arith.index_cast %arg0 : i32 to index
    %get3A_0 = memref.load %arg1[%get3A] : memref<8xi32, #tpu.memory_space<smem>>
    %c0_i32 = arith.constant 0 : i32
    %c0_i32_1 = arith.constant 0 : i32
    %c0_i32_2 = arith.constant 0 : i32
    return %get3A_0, %c0_i32, %c0_i32_1 : i32, i32, i32
  }
  func.func @transform_1(%arg0: i32, %arg1: memref<8xi32, #tpu.memory_space<smem>>, %arg2: memref<8xi32, #tpu.memory_space<smem>>) -> (i32, i32, i32) {
    %get3A = arith.index_cast %arg0 : i32 to index
    %get3A_0 = memref.load %arg1[%get3A] : memref<8xi32, #tpu.memory_space<smem>>
    %c0_i32 = arith.constant 0 : i32
    %c0_i32_1 = arith.constant 0 : i32
    %c0_i32_2 = arith.constant 0 : i32
    return %get3A_0, %c0_i32, %c0_i32_1 : i32, i32, i32
  }
  func.func @transform_2(%arg0: i32, %arg1: memref<8xi32, #tpu.memory_space<smem>>, %arg2: memref<8xi32, #tpu.memory_space<smem>>) -> (i32, i32, i32) {
    %get3A = arith.index_cast %arg0 : i32 to index
    %get3A_0 = memref.load %arg1[%get3A] : memref<8xi32, #tpu.memory_space<smem>>
    %jit3A = arith.constant 128 : i32
    %div3A = arith.divsi %get3A_0, %jit3A : i32
    %sign3A = arith.constant 0 : i32
    %sign3A_1 = arith.cmpi sgt, %get3A_0, %sign3A : i32
    %sign3A_2 = arith.extui %sign3A_1 : i1 to i32
    %sign3A_3 = arith.constant 0 : i32
    %sign3A_4 = arith.cmpi slt, %get3A_0, %sign3A_3 : i32
    %sign3A_5 = arith.extui %sign3A_4 : i1 to i32
    %sign3A_6 = arith.subi %sign3A_2, %sign3A_5 : i32
    %sign3A_7 = arith.constant 0 : i32
    %sign3A_8 = arith.cmpi sgt, %jit3A, %sign3A_7 : i32
    %sign3A_9 = arith.extui %sign3A_8 : i1 to i32
    %sign3A_10 = arith.constant 0 : i32
    %sign3A_11 = arith.cmpi slt, %jit3A, %sign3A_10 : i32
    %sign3A_12 = arith.extui %sign3A_11 : i1 to i32
    %sign3A_13 = arith.subi %sign3A_9, %sign3A_12 : i32
    %ne3A = arith.cmpi ne, %sign3A_6, %sign3A_13 : i32
    %rem3A = arith.remsi %get3A_0, %jit3A : i32
    %ne3A_14 = arith.constant 0 : i32
    %ne3A_15 = arith.cmpi ne, %rem3A, %ne3A_14 : i32
    %and3A = arith.andi %ne3A, %ne3A_15 : i1
    %sub3A = arith.constant 1 : i32
    %sub3A_16 = arith.subi %div3A, %sub3A : i32
    %select_n3A = arith.select %and3A, %sub3A_16, %div3A : i32
    %c0_i32 = arith.constant 0 : i32
    %c0_i32_17 = arith.constant 0 : i32
    %c0_i32_18 = arith.constant 0 : i32
    return %select_n3A, %c0_i32, %c0_i32_17 : i32, i32, i32
  }
  func.func @transform_3(%arg0: i32, %arg1: memref<8xi32, #tpu.memory_space<smem>>, %arg2: memref<8xi32, #tpu.memory_space<smem>>) -> (i32, i32) {
    %get3A = arith.index_cast %arg0 : i32 to index
    %get3A_0 = memref.load %arg1[%get3A] : memref<8xi32, #tpu.memory_space<smem>>
    %jit3A = arith.constant 128 : i32
    %div3A = arith.divsi %get3A_0, %jit3A : i32
    %sign3A = arith.constant 0 : i32
    %sign3A_1 = arith.cmpi sgt, %get3A_0, %sign3A : i32
    %sign3A_2 = arith.extui %sign3A_1 : i1 to i32
    %sign3A_3 = arith.constant 0 : i32
    %sign3A_4 = arith.cmpi slt, %get3A_0, %sign3A_3 : i32
    %sign3A_5 = arith.extui %sign3A_4 : i1 to i32
    %sign3A_6 = arith.subi %sign3A_2, %sign3A_5 : i32
    %sign3A_7 = arith.constant 0 : i32
    %sign3A_8 = arith.cmpi sgt, %jit3A, %sign3A_7 : i32
    %sign3A_9 = arith.extui %sign3A_8 : i1 to i32
    %sign3A_10 = arith.constant 0 : i32
    %sign3A_11 = arith.cmpi slt, %jit3A, %sign3A_10 : i32
    %sign3A_12 = arith.extui %sign3A_11 : i1 to i32
    %sign3A_13 = arith.subi %sign3A_9, %sign3A_12 : i32
    %ne3A = arith.cmpi ne, %sign3A_6, %sign3A_13 : i32
    %rem3A = arith.remsi %get3A_0, %jit3A : i32
    %ne3A_14 = arith.constant 0 : i32
    %ne3A_15 = arith.cmpi ne, %rem3A, %ne3A_14 : i32
    %and3A = arith.andi %ne3A, %ne3A_15 : i1
    %sub3A = arith.constant 1 : i32
    %sub3A_16 = arith.subi %div3A, %sub3A : i32
    %select_n3A = arith.select %and3A, %sub3A_16, %div3A : i32
    %c0_i32 = arith.constant 0 : i32
    %c0_i32_17 = arith.constant 0 : i32
    return %c0_i32, %select_n3A : i32, i32
  }
  func.func @transform_4(%arg0: i32, %arg1: memref<8xi32, #tpu.memory_space<smem>>, %arg2: memref<8xi32, #tpu.memory_space<smem>>) -> (i32, i32, i32) {
    %get3A = arith.index_cast %arg0 : i32 to index
    %get3A_0 = memref.load %arg1[%get3A] : memref<8xi32, #tpu.memory_space<smem>>
    %c0_i32 = arith.constant 0 : i32
    %c0_i32_1 = arith.constant 0 : i32
    %c0_i32_2 = arith.constant 0 : i32
    return %get3A_0, %c0_i32, %c0_i32_1 : i32, i32, i32
  }
  func.func @transform_5(%arg0: i32, %arg1: memref<8xi32, #tpu.memory_space<smem>>, %arg2: memref<8xi32, #tpu.memory_space<smem>>) -> (i32, i32) {
    %get3A = arith.index_cast %arg0 : i32 to index
    %get3A_0 = memref.load %arg1[%get3A] : memref<8xi32, #tpu.memory_space<smem>>
    %jit3A = arith.constant 128 : i32
    %div3A = arith.divsi %get3A_0, %jit3A : i32
    %sign3A = arith.constant 0 : i32
    %sign3A_1 = arith.cmpi sgt, %get3A_0, %sign3A : i32
    %sign3A_2 = arith.extui %sign3A_1 : i1 to i32
    %sign3A_3 = arith.constant 0 : i32
    %sign3A_4 = arith.cmpi slt, %get3A_0, %sign3A_3 : i32
    %sign3A_5 = arith.extui %sign3A_4 : i1 to i32
    %sign3A_6 = arith.subi %sign3A_2, %sign3A_5 : i32
    %sign3A_7 = arith.constant 0 : i32
    %sign3A_8 = arith.cmpi sgt, %jit3A, %sign3A_7 : i32
    %sign3A_9 = arith.extui %sign3A_8 : i1 to i32
    %sign3A_10 = arith.constant 0 : i32
    %sign3A_11 = arith.cmpi slt, %jit3A, %sign3A_10 : i32
    %sign3A_12 = arith.extui %sign3A_11 : i1 to i32
    %sign3A_13 = arith.subi %sign3A_9, %sign3A_12 : i32
    %ne3A = arith.cmpi ne, %sign3A_6, %sign3A_13 : i32
    %rem3A = arith.remsi %get3A_0, %jit3A : i32
    %ne3A_14 = arith.constant 0 : i32
    %ne3A_15 = arith.cmpi ne, %rem3A, %ne3A_14 : i32
    %and3A = arith.andi %ne3A, %ne3A_15 : i1
    %sub3A = arith.constant 1 : i32
    %sub3A_16 = arith.subi %div3A, %sub3A : i32
    %select_n3A = arith.select %and3A, %sub3A_16, %div3A : i32
    %c0_i32 = arith.constant 0 : i32
    %c0_i32_17 = arith.constant 0 : i32
    return %c0_i32, %select_n3A : i32, i32
  }
}

</mosaic_0001>

<sc_bundles>
// kernel: scatter_offload_async_start
scs
__scs_entry_jumppad:
0x0: {  	(pc) =	sbr.rel $0x88, $3  }
0x1: {  	(tag) =	ssettag $0x0;
	lr =	simm.s32 $0x1  }
0x2: {  	[smem:$0x3F9B] =	sst lr;
	_ =	strace $0xD0000000  }
0x3: {  	_ = 	snop  }
0x4: {  	_ = 	snop  }
0x5: {  	_ = 	snop  }
0x6: {  	_ = 	snop  }
0x7: {  	_ = 	snop  }
__scs_overlays_trampoline_lowered:
0x8: {  	[smem:$0x3FAA] =	sst s0  }
0x9: {  	[smem:$0x3FAB] =	sst s1  }
0xa: {  	[smem:$0x3FAC] =	sst s2  }
0xb: {  	[smem:$0x3FAD] =	sst s3  }
0xc: {  	[smem:$0x3FAE] =	sst s4  }
0xd: {  	[smem:$0x3FAF] =	sst s5  }
0xe: {  	[smem:$0x3FB0] =	sst s6  }
0xf: {  	[smem:$0x3FB1] =	sst s7  }
0x10: {  	[smem:$0x3FB2] =	sst s8  }
0x11: {  	[smem:$0x3FB3] =	sst s9;
	s0 =	simm.s32 @!p0 $0x0  }
0x12: {  	s1 =	sld [smem:$0x3F99];
	s0 =	simm.s32 @p0 $0x1  }
0x13: {  	[smem:$0x3FB4] =	sst s0;
	s0 =	simm.s32 @!p1 $0x0  }
0x14: {  	s2 =	sld [smem:$0x3F98];
	s0 =	simm.s32 @p1 $0x1  }
0x15: {  	[smem:$0x3FB5] =	sst s0;
	s0 =	simm.s32 @!p2 $0x0  }
0x16: {  	s3 =	sld [smem:$0x3FDB];
	s0 =	simm.s32 @p2 $0x1  }
0x17: {  	s4 =	simm.s32 $0x1BF5;
	[smem:$0x3FB7] =	sst s0  }
0x18: {  	s0 =	sld [smem:$0x3F9A];
	_ =	swait.ge [sflag:s4], $0x0  }
0x19: {  	s7 =	sld [smem:$0x3F9B]  }
0x1a: {  	s8 =	sadd.s32 $0xFFFFE003, lr  }
0x1b: {  	s9 =	sadd.s32 $0xFFFFFEF7, lr;
	s5 =	simm.s32 $0xFFFFFFFF;
	p2 =	slt.u32 s8, $0xFFFFF086  }
0x1c: {  	p1 =	slt.u32 s9, $0xF7A;
	s5 =	simm.s32 @!p2 $0x0  }
0x1d: {  	s5 =	simm.s32 @p1 $0x1;
	p0 =	seq.s32 s7, s2  }
0x1e: {  	s7 =	smul.u32 @!p0 $0xF7A, s2;
	p2 =	seq.s32 @!p0 s5, $0x0  }
0x1f: {  	s9 =	smul.u32 $0xF7A, s1;
	s8 =	simm.s32 @!p0 $0x1BF5;
	p2 =	por !p2, p0  }
0x20: {  	[sflag:s8] =	ssyncset.s32 @!p0 $0xFFFFF086;
	s6 =	sadd.s32 @!p0 s3, s7;
	s7 =	simm.s32 @!p0 $0x108  }
0x21: {  	s3 =	sadd.s32 s3, s9;
	s6 =	sadd.s32 @!p0 $0x88, s6;
	s7 =	simm.s32 @p2 $0x1082  }
0x22: {  	[simem:s7], [sflag:s8] =	dma.local @!p0 [hbm:s6], $0xF7A  }
0x23: {  	s9 =	sor.u32 $0xD0000000, s2;
	s6 =	simm.s32 $0x108;
	_ =	swait.ge @!p0 [sflag:s8], $0x0  }
0x24: {  	s3 =	sadd.s32 $0x88, s3;
	s6 =	simm.s32 @!p1 $0x1082;
	[sflag:s4] =	ssyncset.s32 $0xFFFFF086  }
0x25: {  	[simem:s6], [sflag:s4] =	dma.local [hbm:s3], $0xF7A  }
0x26: {  	[smem:$0x3F9B] =	sst s1;
	(tag) =	ssettag s2;
	_ =	strace s9  }
0x27: {  	s1 =	sld [smem:$0x3FAB]  }
0x28: {  	s2 =	sld [smem:$0x3FAC]  }
0x29: {  	s4 =	sld [smem:$0x3FAE]  }
0x2a: {  	p0 =	seq.s32 s5, $0x0;
	s5 =	sld [smem:$0x3FAF]  }
0x2b: {  	s6 =	sld [smem:$0x3FB0]  }
0x2c: {  	s7 =	sld [smem:$0x3FB1]  }
0x2d: {  	s3 =	simm.s32 $0x108;
	s8 =	sld [smem:$0x3FB2]  }
0x2e: {  	s3 =	simm.s32 @!p0 $0x1082;
	s9 =	sld [smem:$0x3FB3]  }
0x2f: {  	lr =	sadd.s32 s0, s3;
	s0 =	sld [smem:$0x3FAA]  }
0x30: {  	s3 =	sld [smem:$0x3FAD]  }
0x31: {  	[smem:$0x3FB6] =	sst s10  }
0x32: {  	s10 =	sld [smem:$0x3FB4];
	_ =	sdelay $0x3  }
0x33: {  	p0 =	seq.s32 s10, $0x1;
	s10 =	sld [smem:$0x3FB6];
	_ =	sdelay $0x3  }
0x34: {  	[smem:$0x3FB6] =	sst s10  }
0x35: {  	s10 =	sld [smem:$0x3FB5];
	_ =	sdelay $0x3  }
0x36: {  	p1 =	seq.s32 s10, $0x1;
	s10 =	sld [smem:$0x3FB6];
	_ =	sdelay $0x3  }
0x37: {  	[smem:$0x3FB6] =	sst s10  }
0x38: {  	s10 =	sld [smem:$0x3FB7]  }
0x39: {  	_ = 	snop;
	(pc) =	sbr.ind lr, $3  }
0x3a: {  	_ = 	snop  }
0x3b: {  	_ = 	snop  }
0x3c: {  	p2 =	seq.s32 s10, $0x1;
	s10 =	sld [smem:$0x3FB6]  }
0x3d: {  	_ =	shalt  }
0x3e: {  	_ =	shalt  }
0x3f: {  	_ =	shalt  }
0x40: {  	_ =	shalt  }
0x41: {  	_ =	shalt  }
0x42: {  	_ =	shalt  }
0x43: {  	_ =	shalt  }
0x44: {  	_ =	shalt  }
0x45: {  	_ =	shalt  }
0x46: {  	_ =	shalt  }
0x47: {  	_ =	shalt  }
0x48: {  	_ =	shalt  }
0x49: {  	_ =	shalt  }
0x4a: {  	_ =	shalt  }
0x4b: {  	_ =	shalt  }
0x4c: {  	_ =	shalt  }
0x4d: {  	_ =	shalt  }
0x4e: {  	_ =	shalt  }
0x4f: {  	_ =	shalt  }
0x50: {  	_ =	shalt  }
0x51: {  	_ =	shalt  }
0x52: {  	_ =	shalt  }
0x53: {  	_ =	shalt  }
0x54: {  	_ =	shalt  }
0x55: {  	_ =	shalt  }
0x56: {  	_ =	shalt  }
0x57: {  	_ =	shalt  }
0x58: {  	_ =	shalt  }
0x59: {  	_ =	shalt  }
0x5a: {  	_ =	shalt  }
0x5b: {  	_ =	shalt  }
0x5c: {  	_ =	shalt  }
0x5d: {  	_ =	shalt  }
0x5e: {  	_ =	shalt  }
0x5f: {  	_ =	shalt  }
0x60: {  	_ =	shalt  }
0x61: {  	_ =	shalt  }
0x62: {  	_ =	shalt  }
0x63: {  	_ =	shalt  }
0x64: {  	_ =	shalt  }
0x65: {  	_ =	shalt  }
0x66: {  	_ =	shalt  }
0x67: {  	_ =	shalt  }
0x68: {  	_ =	shalt  }
0x69: {  	_ =	shalt  }
0x6a: {  	_ =	shalt  }
0x6b: {  	_ =	shalt  }
0x6c: {  	_ =	shalt  }
0x6d: {  	_ =	shalt  }
0x6e: {  	_ =	shalt  }
0x6f: {  	_ =	shalt  }
0x70: {  	_ =	shalt  }
0x71: {  	_ =	shalt  }
0x72: {  	_ =	shalt  }
0x73: {  	_ =	shalt  }
0x74: {  	_ =	shalt  }
0x75: {  	_ =	shalt  }
0x76: {  	_ =	shalt  }
0x77: {  	_ =	shalt  }
0x78: {  	_ =	shalt  }
0x79: {  	_ =	shalt  }
0x7a: {  	_ =	shalt  }
0x7b: {  	_ =	shalt  }
0x7c: {  	_ =	shalt  }
0x7d: {  	_ =	shalt  }
0x7e: {  	_ =	shalt  }
0x7f: {  	_ =	shalt  }
0x80: {  	_ =	shalt  }
0x81: {  	_ =	shalt  }
0x82: {  	_ =	shalt  }
0x83: {  	_ =	shalt  }
0x84: {  	_ =	shalt  }
0x85: {  	_ =	shalt  }
0x86: {  	_ =	shalt  }
0x87: {  	_ =	shalt  }
.Lfunc_end0:
.L_simem_size_0:
called_computation_lowered:
.L_overlay_start_0:
0x88: {  	s0 =	sld [smem:$0x3FD9]  }
0x89: {  	s1 =	sld [smem:$0x3FFE];
	_ =	sdelay $0x3  }
0x8a: {  	s0 =	sadd.s32 s1, s0  }
0x8b: {  	[smem:$0x3FC2] =	sst s0  }
0x8c: {  	_ = 	snop  }
0x8d: {  	(tm) =	ssettm $0x1  }
0x8e: {  	s15 =	sld [smem:$0x3FFB];
	_ =	sdelay $0x3  }
0x8f: {  	_ =	strace s15  }
0x90: {  	s0 =	sld [smem:$0x3FFC];
	_ =	sdelay $0x3  }
0x91: {  	_ =	strace s0  }
0x92: {  	s0 =	sld [smem:$0x3FFD];
	_ =	sdelay $0x3  }
0x93: {  	_ =	strace s0  }
0x94: {  	_ =	strace $0x8FFFFFFF  }
0x95: {  	s16 =	sld [smem:$0x3FDB];
	_ =	sdelay $0x1  }
0x96: {  	s17 =	simm.s32 $_scs_section_size  }
0x97: {  	s2 =	simm.s32 $_size__tile_overlayer_lowered;
	s3 =	simm.s32 $_tile_overlayer_lowered  }
0x98: {  	s20 =	simm.s32 $0x1BFF;
	s19 =	sshll.u32 s3, $0x1;
	s0 =	sadd.s32 s17, s16  }
0x99: {  	s4 =	simm.s32 $0x0;
	s18 =	sshll.u32 s2, $0x1;
	s2 =	sadd.s32 s19, s0  }
0x9a: {  	[timem:s4], [sflag:s20] =	dma.local [hbm:s2], s18  }
0x9b: {  	_ =	swait.ge [sflag:s20], s18  }
0x9c: {  	s1 =	ssub.s32 $0x0, s18;
	[sflag:s20] =	ssyncset.done $0x0  }
0x9d: {  	[sflag:s20] =	ssyncadd.s32 s1;
	_ =	sdelay $0x1  }
0x9e: {  	s21 =	simm.s32 $0x1B8B  }
0x9f: {  	_ =	swait.ge [sflag:s21], $0x1  }
0xa0: {  	[sflag:s21] =	ssyncset.done $0x0  }
0xa1: {  	s23 =	simm.s32 $0x1B8E;
	s22 =	sld [smem:$0x3FFE];
	[sflag:s21] =	ssyncadd.s32 $0xFFFFFFFF  }
0xa2: {  	s24 =	simm.s32 $execute0_lowered;
	[smem:$0x3FD2] =	sst s23  }
0xa3: {  	s2 =	sshll.u32 s24, $0x1;
	_ =	strace $0x80000046;
	[dreg:$0x1] =	wrdreg $0xFFFFFFFF  }
0xa4: {  	s25 =	simm.s32 $_size_execute0_lowered;
	s0 =	sadd.s32 s0, s2;
	[dreg:$0x0] =	wrdreg $0x0  }
0xa5: {  	s2 =	sshll.u32 s25, $0x1;
	[dreg:$0x2] =	wrdreg s0  }
0xa6: {  	[dreg:$0x3] =	wrdreg s2  }
0xa7: {  	[dreg:$0x4] =	wrdreg $0xC0  }
0xa8: {  	_ =	task [dreg:s4], $0x5FFFF  }
0xa9: {  	[dreg:$0x1] =	wrdreg $0xFFFFFFFF  }
0xaa: {  	[dreg:$0x0] =	wrdreg $0x60  }
0xab: {  	[dreg:$0x2] =	wrdreg s22  }
0xac: {  	[dreg:$0x3] =	wrdreg $0x9  }
0xad: {  	_ =	task.clear_ibuf [dreg:s4], $0x4FFFF;
	_ =	strace $0x90000046  }
0xae: {  	s26 =	simm.s32 $0x9;
	_ =	strace $0x80000048  }
0xaf: {  	_ =	swait.ge [sflag:s26], $0x1  }
0xb0: {  	[sflag:s26] =	ssyncadd.s32 $0xFFFFFFFF  }
0xb1: {  	_ =	strace $0x90000048  }
0xb2: {  	_ =	sfence  }
0xb3: {  	s28 =	sld [smem:$0x0];
	_ =	sdelay $0x1  }
0xb4: {  	s29 =	srdreg.scid  }
0xb5: {  	s30 =	sshll.u32 s29, $0xD;
	s31 =	sshrl.u32 s29, $0x2  }
0xb6: {  	s1 =	sand.u32 $0x1, s29;
	s2 =	sand.u32 $0x4000, s30;
	s0 =	sadd.s32 s31, s28  }
0xb7: {  	s1 =	sor.u32 s2, s1;
	s0 =	sshll.u32 s0, $0x11  }
0xb8: {  	s0 =	sor.u32 s0, s1  }
0xb9: {  	s0 =	sadd.s32 $0x8F2B, s0  }
0xba: {  	[sflag:s0] =	ssyncadd.remote.s32 $0x1  }
0xbb: {  	_ =	sfence.sel $0xFFFF  }
0xbc: {  	[dreg:$0x0] =	wrdreg $0xFFFFFFFF;
	(pc) =	sbr.abs _section_cstart, $3  }
0xbd: {  	[dreg:$0x1] =	wrdreg $0xFFFFFFFF  }
0xbe: {  	_ =	task.clear_ibuf [dreg:s4], $0x2FFFF;
	_ =	strace $0x9FFFFFFF  }
0xbf: {  	(tm) =	ssettm $0x7FFFFFFF  }
tec
execute0_lowered:
.L_overlay_start_1:
0x0: {  	(tag) =	ssettag $0x1  }
0x1: {  	s5 =	rddreg [dreg:$0x0]  }
0x2: {  	s0 =	rddreg [dreg:$0x1];
	_ =	strace $0x80000047;
	s6 =	stileid.u32  }
0x3: {  	s3 =	simm.s32 $0x3E;
	s1 =	sadd.s32 $0x200A00, s5;
	p0 =	sne.s32 s6, $0x0  }
0x4: {  	[sflag:s3] =	ssyncpa.u1 $0x0;
	s4 =	simm.s32 @!p0 $0x1C3E;
	s2 =	simm.s32 @!p0 $0x0  }
0x5: {  	[spmem:s2], [sflag:s4] =	dma.local @!p0 [hbm:s1], $0x10  }
0x6: {  	s4 =	simm.s32 @!p0 $0x3E  }
0x7: {  	_ =	swait.ge @!p0 [sflag:s4], $0x10  }
0x8: {  	[sflag:s4] =	ssyncset.done @!p0 $0x0  }
0x9: {  	s7 =	sadd.s32 $0x200800, s5;
	[sflag:s4] =	ssyncadd.s32 @!p0 $0xFFFFFFF0  }
0xa: {  	s9 =	simm.s32 $0x108;
	s8 =	sadd.s32 $0x200C00, s5;
	[bflag:$0x0] =	sbarrier.arrive $0xFFFF  }
0xb: {  	s6 =	sshll.u32 s6, $0x5;
	[sflag:s3] =	ssyncpa.u1 $0x1;
	s3 =	simm.s32 $0x1  }
0xc: {  	s5 =	simm.s32 $0x0;
	s4 =	simm.s32 $0x2;
	[sflag:s3] =	ssyncpa.u1 $0x0  }
0xd: {  	s7 =	sadd.s32 s7, s6;
	(ifvalue) =	ssetifvalue $0x80;
	[sflag:s4] =	ssyncpa.u1 $0x0  }
0xe: {  	[tilespmem:s9], [sflag:$0x2] =	stream.linear.gather [hbm4b:s7+s5], $0x100, $0x38;
	[tilespmem:$0x408] =	vst v63  }
0xf: {  	s23 =	simm.s32 $0x308;
	s6 =	sadd.s32 s8, s6  }
0x10: {  	[tilespmem:s23], [sflag:$0x2] =	stream.linear.gather [hbm4b:s6+s5], $0x100, $0x38;
	[tilespmem:$0x408] =	vst v63  }
0x11: {  	_ =	swait.ge [sflag:s4], $0x200  }
0x12: {  	[sflag:s4] =	ssyncset.done $0x0  }
0x13: {  	[sflag:s4] =	ssyncadd.s32 $0xFFFFFE00  }
0x14: {  	v0 =	vld.msk [tilespmem:s9+$0x0 ss:$0x1], $0xffff;
	_ =	sdelay $0x4  }
0x15: {  	v0 =	vmin.u32 v0, $0x80;
	_ =	sdelay $0x3  }
0x16: {  	vm0 =	vmmov $0xffff;
	s24 =	simm.s32 $0x118  }
0x17: {  	[spmem:s5] =	stream.indirect_vreg.scatter.add.s32 [tilespmem:s23], [sflag:$0x1], $0x1, v0, vm0, $0x4038;
	[tilespmem:$0x408] =	vst v63  }
0x18: {  	v0 =	vld.msk [tilespmem:s24+$0x0 ss:$0x1], $0xffff;
	_ =	sdelay $0x4  }
0x19: {  	v0 =	vmin.u32 v0, $0x80;
	_ =	sdelay $0x3  }
0x1a: {  	s25 =	simm.s32 $0x318;
	s26 =	simm.s32 $0x128  }
0x1b: {  	[spmem:s5] =	stream.indirect_vreg.scatter.add.s32 [tilespmem:s25], [sflag:$0x1], $0x1, v0, vm0, $0x4038;
	[tilespmem:$0x408] =	vst v63  }
0x1c: {  	v0 =	vld.msk [tilespmem:s26+$0x0 ss:$0x1], $0xffff;
	_ =	sdelay $0x4  }
0x1d: {  	v0 =	vmin.u32 v0, $0x80;
	_ =	sdelay $0x3  }
0x1e: {  	s28 =	simm.s32 $0x328;
	s29 =	simm.s32 $0x138  }
0x1f: {  	[spmem:s5] =	stream.indirect_vreg.scatter.add.s32 [tilespmem:s28], [sflag:$0x1], $0x1, v0, vm0, $0x4038;
	[tilespmem:$0x408] =	vst v63  }
0x20: {  	v0 =	vld.msk [tilespmem:s29+$0x0 ss:$0x1], $0xffff;
	_ =	sdelay $0x4  }
0x21: {  	v0 =	vmin.u32 v0, $0x80;
	_ =	sdelay $0x3  }
0x22: {  	s30 =	simm.s32 $0x338;
	s31 =	simm.s32 $0x148  }
0x23: {  	[spmem:s5] =	stream.indirect_vreg.scatter.add.s32 [tilespmem:s30], [sflag:$0x1], $0x1, v0, vm0, $0x4038;
	[tilespmem:$0x408] =	vst v63  }
0x24: {  	v0 =	vld.msk [tilespmem:s31+$0x0 ss:$0x1], $0xffff;
	_ =	sdelay $0x4  }
0x25: {  	v0 =	vmin.u32 v0, $0x80;
	_ =	sdelay $0x3  }
0x26: {  	s8 =	simm.s32 $0x158;
	s7 =	simm.s32 $0x348  }
0x27: {  	[spmem:s5] =	stream.indirect_vreg.scatter.add.s32 [tilespmem:s7], [sflag:$0x1], $0x1, v0, vm0, $0x4038;
	[tilespmem:$0x408] =	vst v63  }
0x28: {  	v0 =	vld.msk [tilespmem:s8+$0x0 ss:$0x1], $0xffff;
	_ =	sdelay $0x4  }
0x29: {  	v0 =	vmin.u32 v0, $0x80;
	_ =	sdelay $0x3  }
0x2a: {  	s10 =	simm.s32 $0x168;
	s9 =	simm.s32 $0x358  }
0x2b: {  	[spmem:s5] =	stream.indirect_vreg.scatter.add.s32 [tilespmem:s9], [sflag:$0x1], $0x1, v0, vm0, $0x4038;
	[tilespmem:$0x408] =	vst v63  }
0x2c: {  	v0 =	vld.msk [tilespmem:s10+$0x0 ss:$0x1], $0xffff;
	_ =	sdelay $0x4  }
0x2d: {  	v0 =	vmin.u32 v0, $0x80;
	_ =	sdelay $0x3  }
0x2e: {  	s11 =	simm.s32 $0x368;
	s12 =	simm.s32 $0x178  }
0x2f: {  	[spmem:s5] =	stream.indirect_vreg.scatter.add.s32 [tilespmem:s11], [sflag:$0x1], $0x1, v0, vm0, $0x4038;
	[tilespmem:$0x408] =	vst v63  }
0x30: {  	v0 =	vld.msk [tilespmem:s12+$0x0 ss:$0x1], $0xffff;
	_ =	sdelay $0x4  }
0x31: {  	v0 =	vmin.u32 v0, $0x80;
	_ =	sdelay $0x3  }
0x32: {  	s13 =	simm.s32 $0x378;
	s14 =	simm.s32 $0x188  }
0x33: {  	[spmem:s5] =	stream.indirect_vreg.scatter.add.s32 [tilespmem:s13], [sflag:$0x1], $0x1, v0, vm0, $0x4038;
	[tilespmem:$0x408] =	vst v63  }
0x34: {  	v0 =	vld.msk [tilespmem:s14+$0x0 ss:$0x1], $0xffff;
	_ =	sdelay $0x4  }
0x35: {  	v0 =	vmin.u32 v0, $0x80;
	_ =	sdelay $0x3  }
0x36: {  	s15 =	simm.s32 $0x388;
	s16 =	simm.s32 $0x198  }
0x37: {  	[spmem:s5] =	stream.indirect_vreg.scatter.add.s32 [tilespmem:s15], [sflag:$0x1], $0x1, v0, vm0, $0x4038;
	[tilespmem:$0x408] =	vst v63  }
0x38: {  	v0 =	vld.msk [tilespmem:s16+$0x0 ss:$0x1], $0xffff;
	_ =	sdelay $0x4  }
0x39: {  	v0 =	vmin.u32 v0, $0x80;
	_ =	sdelay $0x3  }
0x3a: {  	s17 =	simm.s32 $0x398;
	s18 =	simm.s32 $0x1A8  }
0x3b: {  	[spmem:s5] =	stream.indirect_vreg.scatter.add.s32 [tilespmem:s17], [sflag:$0x1], $0x1, v0, vm0, $0x4038;
	[tilespmem:$0x408] =	vst v63  }
0x3c: {  	v0 =	vld.msk [tilespmem:s18+$0x0 ss:$0x1], $0xffff;
	_ =	sdelay $0x4  }
0x3d: {  	v0 =	vmin.u32 v0, $0x80;
	_ =	sdelay $0x3  }
0x3e: {  	s19 =	simm.s32 $0x3A8;
	s20 =	simm.s32 $0x1B8  }
0x3f: {  	[spmem:s5] =	stream.indirect_vreg.scatter.add.s32 [tilespmem:s19], [sflag:$0x1], $0x1, v0, vm0, $0x4038;
	[tilespmem:$0x408] =	vst v63  }
0x40: {  	v0 =	vld.msk [tilespmem:s20+$0x0 ss:$0x1], $0xffff;
	_ =	sdelay $0x4  }
0x41: {  	v0 =	vmin.u32 v0, $0x80;
	_ =	sdelay $0x3  }
0x42: {  	s21 =	simm.s32 $0x3B8;
	s22 =	simm.s32 $0x1C8  }
0x43: {  	[spmem:s5] =	stream.indirect_vreg.scatter.add.s32 [tilespmem:s21], [sflag:$0x1], $0x1, v0, vm0, $0x4038;
	[tilespmem:$0x408] =	vst v63  }
0x44: {  	v0 =	vld.msk [tilespmem:s22+$0x0 ss:$0x1], $0xffff;
	_ =	sdelay $0x4  }
0x45: {  	v0 =	vmin.u32 v0, $0x80;
	_ =	sdelay $0x3  }
0x46: {  	s23 =	simm.s32 $0x3C8;
	s24 =	simm.s32 $0x1D8  }
0x47: {  	[spmem:s5] =	stream.indirect_vreg.scatter.add.s32 [tilespmem:s23], [sflag:$0x1], $0x1, v0, vm0, $0x4038;
	[tilespmem:$0x408] =	vst v63  }
0x48: {  	v0 =	vld.msk [tilespmem:s24+$0x0 ss:$0x1], $0xffff;
	_ =	sdelay $0x4  }
0x49: {  	v0 =	vmin.u32 v0, $0x80;
	_ =	sdelay $0x3  }
0x4a: {  	s25 =	simm.s32 $0x3D8;
	s26 =	simm.s32 $0x1E8  }
0x4b: {  	[spmem:s5] =	stream.indirect_vreg.scatter.add.s32 [tilespmem:s25], [sflag:$0x1], $0x1, v0, vm0, $0x4038;
	[tilespmem:$0x408] =	vst v63  }
0x4c: {  	v0 =	vld.msk [tilespmem:s26+$0x0 ss:$0x1], $0xffff;
	_ =	sdelay $0x4  }
0x4d: {  	v0 =	vmin.u32 v0, $0x80;
	_ =	sdelay $0x3  }
0x4e: {  	s28 =	simm.s32 $0x3E8;
	s29 =	simm.s32 $0x1F8  }
0x4f: {  	[spmem:s5] =	stream.indirect_vreg.scatter.add.s32 [tilespmem:s28], [sflag:$0x1], $0x1, v0, vm0, $0x4038;
	[tilespmem:$0x408] =	vst v63  }
0x50: {  	v0 =	vld.msk [tilespmem:s29+$0x0 ss:$0x1], $0xffff;
	_ =	sdelay $0x4  }
0x51: {  	v0 =	vmin.u32 v0, $0x80;
	_ =	sdelay $0x3  }
0x52: {  	s30 =	simm.s32 $0x3F8  }
0x53: {  	[spmem:s5] =	stream.indirect_vreg.scatter.add.s32 [tilespmem:s30], [sflag:$0x1], $0x1, v0, vm0, $0x4038;
	[tilespmem:$0x408] =	vst v63  }
0x54: {  	_ =	swait.ge [sflag:s3], $0x100  }
0x55: {  	[sflag:s3] =	ssyncset.done $0x0  }
0x56: {  	[sflag:s3] =	ssyncadd.s32 $0xFFFFFF00  }
0x57: {  	_ =	sfence.sel $0x180000  }
0x58: {  	[bflag:$0x0] =	sbarrier.arrive $0xFFFF  }
0x59: {  	[sflag:s4] =	ssyncpa.u1 $0x1  }
0x5a: {  	[sflag:s3] =	ssyncpa.u1 $0x1  }
0x5b: {  	_ =	sfence.stream.spmem  }
0x5c: {  	s31 =	simm.s32 $0x3D;
	[bflag:$0x0] =	sbarrier.arrive $0xFFFF  }
0x5d: {  	s3 =	simm.s32 @p0 $0x3D;
	[sflag:s31] =	ssyncpa.u1 $0x0  }
0x5e: {  	[sflag:s3] =	ssyncpa.u1 @p0 $0x1  }
0x5f: {  	[bflag:$0x0] =	sbarrier.arrive @p0 $0xFFFF  }
0x60: {  	_ =	strace @p0 $0x90000047  }
0x61: {  	s3 =	simm.s32 @!p0 $0x1C3D;
	[bflag:$0x2] =	sbarrier.arrive @p0 $0xFFFF  }
0x62: {  	[hbm:s1], [sflag:s3] =	dma.local @!p0 [spmem:s2], $0x10  }
0x63: {  	s1 =	simm.s32 @!p0 $0x3D  }
0x64: {  	_ =	swait.ge @!p0 [sflag:s1], $0x10  }
0x65: {  	[sflag:s1] =	ssyncset.done @!p0 $0x0  }
0x66: {  	[sflag:s1] =	ssyncadd.s32 @!p0 $0xFFFFFFF0  }
0x67: {  	[sflag:s1] =	ssyncpa.u1 @!p0 $0x1  }
0x68: {  	[bflag:$0x0] =	sbarrier.arrive @!p0 $0xFFFF  }
0x69: {  	_ =	strace @!p0 $0x90000047  }
0x6a: {  	s0 =	sadd.s32 @!p0 $0x100000, s0;
	[bflag:$0x2] =	sbarrier.arrive @!p0 $0xFFFF  }
0x6b: {  	[sflag:s0] =	ssyncadd.tile.s32 @!p0 $0x1;
	_ =	shalt  }
.Lfunc_end2:
_tile_overlayer_lowered:
.L_overlay_start_2:
0x6c: {  	(tag) =	ssettag $0x2  }
0x6d: {  	s0 =	rddreg [dreg:$0x0];
	s2 =	stileid.u32  }
0x6e: {  	s1 =	rddreg [dreg:$0x1];
	p0 =	sne.s32 s2, $0x0  }
0x6f: {  	s3 =	rddreg [dreg:$0x2];
	[bflag:$0x3] =	sbarrier.arrive $0xFFFF;
	s2 =	simm.s32 @!p0 $0x1C01  }
0x70: {  	[timem:s3], [sflag:s2] =	dma.local @!p0 [hbm:s0], s1  }
0x71: {  	s0 =	simm.s32 @!p0 $0x1  }
0x72: {  	_ =	swait.ge @!p0 [sflag:s0], s1  }
0x73: {  	s1 =	ssub.s32 @!p0 $0x0, s1;
	[sflag:s0] =	ssyncset.done @!p0 $0x0  }
0x74: {  	[sflag:s0] =	ssyncadd.s32 @!p0 s1  }
0x75: {  	[bflag:$0x3] =	sbarrier.arrive $0xFFFF  }
0x76: {  	_ =	shalt  }

</sc_bundles>
